<compile_context>
chip_gen: v7x
topology: tpu7x:2x2x1
jax: 0.10.2.dev20260603
libtpu: 0.0.44.dev20260713+nightly
codegen_flags: <defaults>
</compile_context>

<pallas_src>
import functools

import jax
import jax.numpy as jnp
from jax import lax
from jax.experimental import pallas as pl
from jax.experimental.pallas import tpu as pltpu
from jax.experimental.pallas import tpu_sc as plsc

R = 64
N = 8192

_info = plsc.get_sparse_core_info()
_NC, _NS, _L = _info.num_cores, _info.num_subcores, _info.num_lanes
_NW = _NC * _NS
_CPW = N // _NW
_NB = 2
_CW = _CPW // _NB
_GPC = _CW // _L


@functools.partial(
    pl.kernel,
    mesh=plsc.VectorSubcoreMesh(core_axis_name="c", subcore_axis_name="s"),
    out_type=(
        jax.ShapeDtypeStruct((1, N), jnp.float32),
        jax.ShapeDtypeStruct((1, N), jnp.int32),
    ),
    scratch_types=[
        pltpu.VMEM((R, _CPW), jnp.float32),
        pltpu.VMEM((_CPW,), jnp.float32),
        pltpu.VMEM((_CPW,), jnp.int32),
    ] + [pltpu.SemaphoreType.DMA] * (_NB + 1),
)
def _colmax(x_hbm, vals_hbm, idx_hbm, x_v, mv_v, mi_v, *sems):
    wid = lax.axis_index("s") * _NC + lax.axis_index("c")
    base = wid * _CPW

    copies = [
        pltpu.async_copy(
            x_hbm.at[:, pl.ds(base + c * _CW, _CW)],
            x_v.at[:, pl.ds(c * _CW, _CW)],
            sems[c],
        )
        for c in range(_NB)
    ]
    copies[0].wait()

    def group(g, carry):
        for c in range(1, _NB):
            @pl.when(g == c * _GPC // 2)
            def _():
                copies[c].wait()

        cols_a = pl.ds(g * 2 * _L, _L)
        cols_b = pl.ds(g * 2 * _L + _L, _L)
        ma = x_v[0, cols_a]
        mb = x_v[0, cols_b]
        i0 = jnp.zeros((_L,), jnp.int32)

        def row(r, mi):
            ma, ia, mb, ib = mi
            ri = jnp.broadcast_to(r, (_L,)).astype(jnp.int32)
            va = x_v[r, cols_a]
            vb = x_v[r, cols_b]
            pa = va > ma
            pb = vb > mb
            return (
                jnp.where(pa, va, ma),
                jnp.where(pa, ri, ia),
                jnp.where(pb, vb, mb),
                jnp.where(pb, ri, ib),
            )

        ma, ia, mb, ib = lax.fori_loop(1, R, row, (ma, i0, mb, i0), unroll=9)
        mv_v[cols_a] = ma
        mi_v[cols_a] = ia
        mv_v[cols_b] = mb
        mi_v[cols_b] = ib
        return carry

    lax.fori_loop(0, _NB * _GPC // 2, group, 0)

    cv = pltpu.async_copy(mv_v, vals_hbm.at[0, pl.ds(base, _CPW)], sems[_NB])
    ci = pltpu.async_copy(mi_v, idx_hbm.at[0, pl.ds(base, _CPW)], sems[_NB])
    cv.wait()
    ci.wait()


def kernel(x):
    vals, idx = _colmax(x)
    return vals, idx.astype(jnp.int64)

# --- scband reference (transcript-rebuilt; emitter-appended) ---
"""Pipeline reference for scband-my-model-61933428415988 (READ-ONLY COPY).

The authoritative reference and input builder live on the scoring server;
editing this copy changes nothing except your own understanding.
"""

import jax, jax.numpy as jnp
import numpy as np

def setup_inputs(seed: int = 0) -> dict:
    key = jax.random.key(seed)
    x = jax.random.normal(key, (64, 8192), dtype=jnp.float32)
    return {"x": x}

def reference(x):
    # The torch module computes four topk variants (printing intermediates)
    # but returns only the LAST one: torch.ops.aten.topk(x, 1, 0, True, False)
    # i.e. k=1 along dim=0, largest=True, sorted=False.
    # Intermediate (discarded) variants, computed faithfully:
    v_def, i_def = jax.lax.top_k(x, 1)                      # dim=-1 (default)
    v_d0, i_d0 = jax.lax.top_k(x.T, 1)                      # dim=0
    v_ns, i_ns = jax.lax.top_k(x, 1)                        # dim=-1, sorted=False (same values for k=1)
    # Final returned: dim=0, k=1 -> shapes [1, N]
    vals_t, idx_t = jax.lax.top_k(x.T, 1)                   # [N, 1]
    values = vals_t.T                                        # [1, N]
    indices = idx_t.T.astype(jnp.int64)                      # [1, N]
    return (values, indices)

if __name__ == "__main__":
    import jax
    _d = setup_inputs()
    print(jax.jit(kernel)(*tuple(_d.values())))

</pallas_src>

<mosaic_0001>
#map = affine_map<(d0, d1) -> (0, 0)>
module attributes {stable_mosaic.version = 14 : i64} {
  func.func @_colmax(%arg0: i32, %arg1: i32, %arg2: memref<64x8192xf32, #tpu.memory_space<hbm>>, %arg3: memref<1x8192xf32, #tpu.memory_space<hbm>>, %arg4: memref<1x8192xi32, #tpu.memory_space<hbm>>, %arg5: memref<64x256xf32, #tpu.memory_space<vmem>>, %arg6: memref<256xf32, #tpu.memory_space<vmem>>, %arg7: memref<256xi32, #tpu.memory_space<vmem>>, %arg8: memref<!tpu.dma_semaphore, #tpu.memory_space<semaphore_mem>>, %arg9: memref<!tpu.dma_semaphore, #tpu.memory_space<semaphore_mem>>, %arg10: memref<!tpu.dma_semaphore, #tpu.memory_space<semaphore_mem>>) attributes {dimension_semantics = [#tpu.dimension_semantics<core_parallel>, #tpu.dimension_semantics<subcore_parallel>], iteration_bounds = array<i64: 2, 16>, scalar_prefetch = 0 : i64, scratch_operands = 6 : i64, tpu.core_type = #tpu.core_type<sc_vector_subcore>, window_params = [{transform_indices = #map}, {transform_indices = #map}, {transform_indices = #map}]} {
    %mul3A = arith.constant 2 : i32
    %mul3A_0 = arith.muli %arg1, %mul3A : i32
    %add3A = arith.addi %mul3A_0, %arg0 : i32
    %mul3A_1 = arith.constant 256 : i32
    %mul3A_2 = arith.muli %add3A, %mul3A_1 : i32
    %add3A_3 = arith.constant 0 : i32
    %add3A_4 = arith.addi %mul3A_2, %add3A_3 : i32
    %dma_start3A = arith.constant 0 : i32
    %dma_start3A_5 = arith.constant 0 : i32
    %dma_start3A_6 = tpu.memref_slice %arg5[%dma_start3A, %dma_start3A_5] : memref<64x256xf32, #tpu.memory_space<vmem>> -> memref<64x128xf32, #tpu.memory_space<vmem>>
    %dma_start3A_7 = arith.constant 0 : i32
    %dma_start3A_8 = tpu.memref_slice %arg2[%dma_start3A_7, %add3A_4] : memref<64x8192xf32, #tpu.memory_space<hbm>> -> memref<64x128xf32, #tpu.memory_space<hbm>>
    %dma_start3A_9 = arith.constant 0 : i32
    %dma_start3A_10 = arith.constant 0 : i32
    %dma_start3A_11 = tpu.memref_slice %arg5[%dma_start3A_9, %dma_start3A_10] : memref<64x256xf32, #tpu.memory_space<vmem>> -> memref<64x128xf32, #tpu.memory_space<vmem>>
    %dma_start3A_12 = arith.constant 0 : i32
    %dma_start3A_13 = tpu.memref_slice %arg2[%dma_start3A_12, %add3A_4] : memref<64x8192xf32, #tpu.memory_space<hbm>> -> memref<64x128xf32, #tpu.memory_space<hbm>>
    tpu.enqueue_dma source(%dma_start3A_13 : memref<64x128xf32, #tpu.memory_space<hbm>>) target(%dma_start3A_11 : memref<64x128xf32, #tpu.memory_space<vmem>>) target_semaphore(%arg8 : memref<!tpu.dma_semaphore, #tpu.memory_space<semaphore_mem>>)
    %add3A_14 = arith.constant 128 : i32
    %add3A_15 = arith.addi %mul3A_2, %add3A_14 : i32
    %dma_start3A_16 = arith.constant 0 : i32
    %dma_start3A_17 = arith.constant 128 : i32
    %dma_start3A_18 = tpu.memref_slice %arg5[%dma_start3A_16, %dma_start3A_17] : memref<64x256xf32, #tpu.memory_space<vmem>> -> memref<64x128xf32, #tpu.memory_space<vmem>>
    %dma_start3A_19 = arith.constant 0 : i32
    %dma_start3A_20 = tpu.memref_slice %arg2[%dma_start3A_19, %add3A_15] : memref<64x8192xf32, #tpu.memory_space<hbm>> -> memref<64x128xf32, #tpu.memory_space<hbm>>
    %dma_start3A_21 = arith.constant 0 : i32
    %dma_start3A_22 = arith.constant 128 : i32
    %dma_start3A_23 = tpu.memref_slice %arg5[%dma_start3A_21, %dma_start3A_22] : memref<64x256xf32, #tpu.memory_space<vmem>> -> memref<64x128xf32, #tpu.memory_space<vmem>>
    %dma_start3A_24 = arith.constant 0 : i32
    %dma_start3A_25 = tpu.memref_slice %arg2[%dma_start3A_24, %add3A_15] : memref<64x8192xf32, #tpu.memory_space<hbm>> -> memref<64x128xf32, #tpu.memory_space<hbm>>
    tpu.enqueue_dma source(%dma_start3A_25 : memref<64x128xf32, #tpu.memory_space<hbm>>) target(%dma_start3A_23 : memref<64x128xf32, #tpu.memory_space<vmem>>) target_semaphore(%arg9 : memref<!tpu.dma_semaphore, #tpu.memory_space<semaphore_mem>>)
    %dma_wait3A = arith.constant 0 : i32
    %dma_wait3A_26 = arith.constant 0 : i32
    %dma_wait3A_27 = tpu.memref_slice %arg5[%dma_wait3A, %dma_wait3A_26] : memref<64x256xf32, #tpu.memory_space<vmem>> -> memref<64x128xf32, #tpu.memory_space<vmem>>
    %dma_wait3A_28 = arith.constant 0 : i32
    %dma_wait3A_29 = tpu.memref_slice %arg2[%dma_wait3A_28, %add3A_4] : memref<64x8192xf32, #tpu.memory_space<hbm>> -> memref<64x128xf32, #tpu.memory_space<hbm>>
    %dma_wait3A_30 = arith.constant 0 : i32
    %dma_wait3A_31 = arith.constant 0 : i32
    %dma_wait3A_32 = tpu.memref_slice %arg5[%dma_wait3A_30, %dma_wait3A_31] : memref<64x256xf32, #tpu.memory_space<vmem>> -> memref<64x128xf32, #tpu.memory_space<vmem>>
    %dma_wait3A_33 = arith.constant 0 : i32
    %dma_wait3A_34 = tpu.memref_slice %arg2[%dma_wait3A_33, %add3A_4] : memref<64x8192xf32, #tpu.memory_space<hbm>> -> memref<64x128xf32, #tpu.memory_space<hbm>>
    tpu.wait_dma2 semaphore(%arg8 : memref<!tpu.dma_semaphore, #tpu.memory_space<semaphore_mem>>) src(%dma_wait3A_34 : memref<64x128xf32, #tpu.memory_space<hbm>>) dst(%dma_wait3A_32 : memref<64x128xf32, #tpu.memory_space<vmem>>)
    %scan3A = arith.constant 0 : i32
    %scan3A_35 = arith.constant 0 : i32
    %scan3A_36 = arith.constant 8 : i32
    %scan3A_37 = arith.addi %scan3A_35, %scan3A_36 : i32
    %scan3A_38 = arith.constant 1 : i32
    scf.for %scan3A_60 = %scan3A_35 to %scan3A_37 step %scan3A_38  : i32 {
      %eq3A = arith.constant 4 : i32
      %eq3A_61 = arith.cmpi eq, %scan3A_60, %eq3A : i32
      %convert_element_type3A = arith.extui %eq3A_61 : i1 to i32
      %cond3A = arith.constant 0 : i32
      %cond3A_62 = arith.cmpi ne, %convert_element_type3A, %cond3A : i32
      scf.if %cond3A_62 {
        %dma_wait3A_104 = arith.constant 0 : i32
        %dma_wait3A_105 = arith.constant 128 : i32
        %dma_wait3A_106 = tpu.memref_slice %arg5[%dma_wait3A_104, %dma_wait3A_105] : memref<64x256xf32, #tpu.memory_space<vmem>> -> memref<64x128xf32, #tpu.memory_space<vmem>>
        %dma_wait3A_107 = arith.constant 0 : i32
        %dma_wait3A_108 = tpu.memref_slice %arg2[%dma_wait3A_107, %add3A_15] : memref<64x8192xf32, #tpu.memory_space<hbm>> -> memref<64x128xf32, #tpu.memory_space<hbm>>
        %dma_wait3A_109 = arith.constant 0 : i32
        %dma_wait3A_110 = arith.constant 128 : i32
        %dma_wait3A_111 = tpu.memref_slice %arg5[%dma_wait3A_109, %dma_wait3A_110] : memref<64x256xf32, #tpu.memory_space<vmem>> -> memref<64x128xf32, #tpu.memory_space<vmem>>
        %dma_wait3A_112 = arith.constant 0 : i32
        %dma_wait3A_113 = tpu.memref_slice %arg2[%dma_wait3A_112, %add3A_15] : memref<64x8192xf32, #tpu.memory_space<hbm>> -> memref<64x128xf32, #tpu.memory_space<hbm>>
        tpu.wait_dma2 semaphore(%arg9 : memref<!tpu.dma_semaphore, #tpu.memory_space<semaphore_mem>>) src(%dma_wait3A_113 : memref<64x128xf32, #tpu.memory_space<hbm>>) dst(%dma_wait3A_111 : memref<64x128xf32, #tpu.memory_space<vmem>>)
      } else {
      }
      %mul3A_63 = arith.constant 2 : i32
      %mul3A_64 = arith.muli %scan3A_60, %mul3A_63 : i32
      %mul3A_65 = arith.constant 16 : i32
      %mul3A_66 = arith.muli %mul3A_64, %mul3A_65 : i32
      %mul3A_67 = arith.constant 2 : i32
      %mul3A_68 = arith.muli %scan3A_60, %mul3A_67 : i32
      %mul3A_69 = arith.constant 16 : i32
      %mul3A_70 = arith.muli %mul3A_68, %mul3A_69 : i32
      %add3A_71 = arith.constant 16 : i32
      %add3A_72 = arith.addi %mul3A_70, %add3A_71 : i32
      %get3A = arith.constant 0 : i32
      %get3A_73 = arith.index_cast %get3A : i32 to index
      %get3A_74 = arith.index_cast %mul3A_66 : i32 to index
      %get3A_75 = tpu.vector_load %arg5[%get3A_73, %get3A_74] {strides = array<i32>} : memref<64x256xf32, #tpu.memory_space<vmem>>, vector<1x16xf32>,
      %get3A_76 = vector.shape_cast %get3A_75 : vector<1x16xf32> to vector<16xf32>
      %get3A_77 = arith.constant 0 : i32
      %get3A_78 = arith.index_cast %get3A_77 : i32 to index
      %get3A_79 = arith.index_cast %add3A_72 : i32 to index
      %get3A_80 = tpu.vector_load %arg5[%get3A_78, %get3A_79] {strides = array<i32>} : memref<64x256xf32, #tpu.memory_space<vmem>>, vector<1x16xf32>,
      %get3A_81 = vector.shape_cast %get3A_80 : vector<1x16xf32> to vector<16xf32>
      %broadcast_in_dim3A = arith.constant 0 : i32
      %broadcast_in_dim3A_82 = vector.broadcast %broadcast_in_dim3A : i32 to vector<16xi32>
      %scan3A_83 = arith.constant 1 : i32
      %scan3A_84 = arith.constant 63 : i32
      %scan3A_85 = arith.addi %scan3A_83, %scan3A_84 : i32
      %scan3A_86 = arith.constant 9 : i32
      %scan3A_87:4 = scf.for %scan3A_104 = %scan3A_83 to %scan3A_85 step %scan3A_86 iter_args(%scan3A_105 = %get3A_76, %scan3A_106 = %broadcast_in_dim3A_82, %scan3A_107 = %get3A_81, %scan3A_108 = %broadcast_in_dim3A_82) -> (vector<16xf32>, vector<16xi32>, vector<16xf32>, vector<16xi32>)  : i32 {
        %broadcast_in_dim3A_109 = vector.broadcast %scan3A_104 : i32 to vector<16xi32>
        %get3A_110 = arith.index_cast %scan3A_104 : i32 to index
        %get3A_111 = arith.index_cast %mul3A_66 : i32 to index
        %get3A_112 = tpu.vector_load %arg5[%get3A_110, %get3A_111] {strides = array<i32>} : memref<64x256xf32, #tpu.memory_space<vmem>>, vector<1x16xf32>,
        %get3A_113 = vector.shape_cast %get3A_112 : vector<1x16xf32> to vector<16xf32>
        %get3A_114 = arith.index_cast %scan3A_104 : i32 to index
        %get3A_115 = arith.index_cast %add3A_72 : i32 to index
        %get3A_116 = tpu.vector_load %arg5[%get3A_114, %get3A_115] {strides = array<i32>} : memref<64x256xf32, #tpu.memory_space<vmem>>, vector<1x16xf32>,
        %get3A_117 = vector.shape_cast %get3A_116 : vector<1x16xf32> to vector<16xf32>
        %gt3A = arith.cmpf ogt, %get3A_113, %scan3A_105 : vector<16xf32>
        %gt3A_118 = arith.cmpf ogt, %get3A_117, %scan3A_107 : vector<16xf32>
        %select_n3A = arith.select %gt3A, %get3A_113, %scan3A_105 : vector<16xi1>, vector<16xf32>
        %select_n3A_119 = arith.select %gt3A, %broadcast_in_dim3A_109, %scan3A_106 : vector<16xi1>, vector<16xi32>
        %select_n3A_120 = arith.select %gt3A_118, %get3A_117, %scan3A_107 : vector<16xi1>, vector<16xf32>
        %select_n3A_121 = arith.select %gt3A_118, %broadcast_in_dim3A_109, %scan3A_108 : vector<16xi1>, vector<16xi32>
        %scan3A_122 = arith.constant 1 : i32
        %scan3A_123 = arith.addi %scan3A_104, %scan3A_122 : i32
        %broadcast_in_dim3A_124 = vector.broadcast %scan3A_123 : i32 to vector<16xi32>
        %get3A_125 = arith.index_cast %scan3A_123 : i32 to index
        %get3A_126 = arith.index_cast %mul3A_66 : i32 to index
        %get3A_127 = tpu.vector_load %arg5[%get3A_125, %get3A_126] {strides = array<i32>} : memref<64x256xf32, #tpu.memory_space<vmem>>, vector<1x16xf32>,
        %get3A_128 = vector.shape_cast %get3A_127 : vector<1x16xf32> to vector<16xf32>
        %get3A_129 = arith.index_cast %scan3A_123 : i32 to index
        %get3A_130 = arith.index_cast %add3A_72 : i32 to index
        %get3A_131 = tpu.vector_load %arg5[%get3A_129, %get3A_130] {strides = array<i32>} : memref<64x256xf32, #tpu.memory_space<vmem>>, vector<1x16xf32>,
        %get3A_132 = vector.shape_cast %get3A_131 : vector<1x16xf32> to vector<16xf32>
        %gt3A_133 = arith.cmpf ogt, %get3A_128, %select_n3A : vector<16xf32>
        %gt3A_134 = arith.cmpf ogt, %get3A_132, %select_n3A_120 : vector<16xf32>
        %select_n3A_135 = arith.select %gt3A_133, %get3A_128, %select_n3A : vector<16xi1>, vector<16xf32>
        %select_n3A_136 = arith.select %gt3A_133, %broadcast_in_dim3A_124, %select_n3A_119 : vector<16xi1>, vector<16xi32>
        %select_n3A_137 = arith.select %gt3A_134, %get3A_132, %select_n3A_120 : vector<16xi1>, vector<16xf32>
        %select_n3A_138 = arith.select %gt3A_134, %broadcast_in_dim3A_124, %select_n3A_121 : vector<16xi1>, vector<16xi32>
        %scan3A_139 = arith.constant 2 : i32
        %scan3A_140 = arith.addi %scan3A_104, %scan3A_139 : i32
        %broadcast_in_dim3A_141 = vector.broadcast %scan3A_140 : i32 to vector<16xi32>
        %get3A_142 = arith.index_cast %scan3A_140 : i32 to index
        %get3A_143 = arith.index_cast %mul3A_66 : i32 to index
        %get3A_144 = tpu.vector_load %arg5[%get3A_142, %get3A_143] {strides = array<i32>} : memref<64x256xf32, #tpu.memory_space<vmem>>, vector<1x16xf32>,
        %get3A_145 = vector.shape_cast %get3A_144 : vector<1x16xf32> to vector<16xf32>
        %get3A_146 = arith.index_cast %scan3A_140 : i32 to index
        %get3A_147 = arith.index_cast %add3A_72 : i32 to index
        %get3A_148 = tpu.vector_load %arg5[%get3A_146, %get3A_147] {strides = array<i32>} : memref<64x256xf32, #tpu.memory_space<vmem>>, vector<1x16xf32>,
        %get3A_149 = vector.shape_cast %get3A_148 : vector<1x16xf32> to vector<16xf32>
        %gt3A_150 = arith.cmpf ogt, %get3A_145, %select_n3A_135 : vector<16xf32>
        %gt3A_151 = arith.cmpf ogt, %get3A_149, %select_n3A_137 : vector<16xf32>
        %select_n3A_152 = arith.select %gt3A_150, %get3A_145, %select_n3A_135 : vector<16xi1>, vector<16xf32>
        %select_n3A_153 = arith.select %gt3A_150, %broadcast_in_dim3A_141, %select_n3A_136 : vector<16xi1>, vector<16xi32>
        %select_n3A_154 = arith.select %gt3A_151, %get3A_149, %select_n3A_137 : vector<16xi1>, vector<16xf32>
        %select_n3A_155 = arith.select %gt3A_151, %broadcast_in_dim3A_141, %select_n3A_138 : vector<16xi1>, vector<16xi32>
        %scan3A_156 = arith.constant 3 : i32
        %scan3A_157 = arith.addi %scan3A_104, %scan3A_156 : i32
        %broadcast_in_dim3A_158 = vector.broadcast %scan3A_157 : i32 to vector<16xi32>
        %get3A_159 = arith.index_cast %scan3A_157 : i32 to index
        %get3A_160 = arith.index_cast %mul3A_66 : i32 to index
        %get3A_161 = tpu.vector_load %arg5[%get3A_159, %get3A_160] {strides = array<i32>} : memref<64x256xf32, #tpu.memory_space<vmem>>, vector<1x16xf32>,
        %get3A_162 = vector.shape_cast %get3A_161 : vector<1x16xf32> to vector<16xf32>
        %get3A_163 = arith.index_cast %scan3A_157 : i32 to index
        %get3A_164 = arith.index_cast %add3A_72 : i32 to index
        %get3A_165 = tpu.vector_load %arg5[%get3A_163, %get3A_164] {strides = array<i32>} : memref<64x256xf32, #tpu.memory_space<vmem>>, vector<1x16xf32>,
        %get3A_166 = vector.shape_cast %get3A_165 : vector<1x16xf32> to vector<16xf32>
        %gt3A_167 = arith.cmpf ogt, %get3A_162, %select_n3A_152 : vector<16xf32>
        %gt3A_168 = arith.cmpf ogt, %get3A_166, %select_n3A_154 : vector<16xf32>
        %select_n3A_169 = arith.select %gt3A_167, %get3A_162, %select_n3A_152 : vector<16xi1>, vector<16xf32>
        %select_n3A_170 = arith.select %gt3A_167, %broadcast_in_dim3A_158, %select_n3A_153 : vector<16xi1>, vector<16xi32>
        %select_n3A_171 = arith.select %gt3A_168, %get3A_166, %select_n3A_154 : vector<16xi1>, vector<16xf32>
        %select_n3A_172 = arith.select %gt3A_168, %broadcast_in_dim3A_158, %select_n3A_155 : vector<16xi1>, vector<16xi32>
        %scan3A_173 = arith.constant 4 : i32
        %scan3A_174 = arith.addi %scan3A_104, %scan3A_173 : i32
        %broadcast_in_dim3A_175 = vector.broadcast %scan3A_174 : i32 to vector<16xi32>
        %get3A_176 = arith.index_cast %scan3A_174 : i32 to index
        %get3A_177 = arith.index_cast %mul3A_66 : i32 to index
        %get3A_178 = tpu.vector_load %arg5[%get3A_176, %get3A_177] {strides = array<i32>} : memref<64x256xf32, #tpu.memory_space<vmem>>, vector<1x16xf32>,
        %get3A_179 = vector.shape_cast %get3A_178 : vector<1x16xf32> to vector<16xf32>
        %get3A_180 = arith.index_cast %scan3A_174 : i32 to index
        %get3A_181 = arith.index_cast %add3A_72 : i32 to index
        %get3A_182 = tpu.vector_load %arg5[%get3A_180, %get3A_181] {strides = array<i32>} : memref<64x256xf32, #tpu.memory_space<vmem>>, vector<1x16xf32>,
        %get3A_183 = vector.shape_cast %get3A_182 : vector<1x16xf32> to vector<16xf32>
        %gt3A_184 = arith.cmpf ogt, %get3A_179, %select_n3A_169 : vector<16xf32>
        %gt3A_185 = arith.cmpf ogt, %get3A_183, %select_n3A_171 : vector<16xf32>
        %select_n3A_186 = arith.select %gt3A_184, %get3A_179, %select_n3A_169 : vector<16xi1>, vector<16xf32>
        %select_n3A_187 = arith.select %gt3A_184, %broadcast_in_dim3A_175, %select_n3A_170 : vector<16xi1>, vector<16xi32>
        %select_n3A_188 = arith.select %gt3A_185, %get3A_183, %select_n3A_171 : vector<16xi1>, vector<16xf32>
        %select_n3A_189 = arith.select %gt3A_185, %broadcast_in_dim3A_175, %select_n3A_172 : vector<16xi1>, vector<16xi32>
        %scan3A_190 = arith.constant 5 : i32
        %scan3A_191 = arith.addi %scan3A_104, %scan3A_190 : i32
        %broadcast_in_dim3A_192 = vector.broadcast %scan3A_191 : i32 to vector<16xi32>
        %get3A_193 = arith.index_cast %scan3A_191 : i32 to index
        %get3A_194 = arith.index_cast %mul3A_66 : i32 to index
        %get3A_195 = tpu.vector_load %arg5[%get3A_193, %get3A_194] {strides = array<i32>} : memref<64x256xf32, #tpu.memory_space<vmem>>, vector<1x16xf32>,
        %get3A_196 = vector.shape_cast %get3A_195 : vector<1x16xf32> to vector<16xf32>
        %get3A_197 = arith.index_cast %scan3A_191 : i32 to index
        %get3A_198 = arith.index_cast %add3A_72 : i32 to index
        %get3A_199 = tpu.vector_load %arg5[%get3A_197, %get3A_198] {strides = array<i32>} : memref<64x256xf32, #tpu.memory_space<vmem>>, vector<1x16xf32>,
        %get3A_200 = vector.shape_cast %get3A_199 : vector<1x16xf32> to vector<16xf32>
        %gt3A_201 = arith.cmpf ogt, %get3A_196, %select_n3A_186 : vector<16xf32>
        %gt3A_202 = arith.cmpf ogt, %get3A_200, %select_n3A_188 : vector<16xf32>
        %select_n3A_203 = arith.select %gt3A_201, %get3A_196, %select_n3A_186 : vector<16xi1>, vector<16xf32>
        %select_n3A_204 = arith.select %gt3A_201, %broadcast_in_dim3A_192, %select_n3A_187 : vector<16xi1>, vector<16xi32>
        %select_n3A_205 = arith.select %gt3A_202, %get3A_200, %select_n3A_188 : vector<16xi1>, vector<16xf32>
        %select_n3A_206 = arith.select %gt3A_202, %broadcast_in_dim3A_192, %select_n3A_189 : vector<16xi1>, vector<16xi32>
        %scan3A_207 = arith.constant 6 : i32
        %scan3A_208 = arith.addi %scan3A_104, %scan3A_207 : i32
        %broadcast_in_dim3A_209 = vector.broadcast %scan3A_208 : i32 to vector<16xi32>
        %get3A_210 = arith.index_cast %scan3A_208 : i32 to index
        %get3A_211 = arith.index_cast %mul3A_66 : i32 to index
        %get3A_212 = tpu.vector_load %arg5[%get3A_210, %get3A_211] {strides = array<i32>} : memref<64x256xf32, #tpu.memory_space<vmem>>, vector<1x16xf32>,
        %get3A_213 = vector.shape_cast %get3A_212 : vector<1x16xf32> to vector<16xf32>
        %get3A_214 = arith.index_cast %scan3A_208 : i32 to index
        %get3A_215 = arith.index_cast %add3A_72 : i32 to index
        %get3A_216 = tpu.vector_load %arg5[%get3A_214, %get3A_215] {strides = array<i32>} : memref<64x256xf32, #tpu.memory_space<vmem>>, vector<1x16xf32>,
        %get3A_217 = vector.shape_cast %get3A_216 : vector<1x16xf32> to vector<16xf32>
        %gt3A_218 = arith.cmpf ogt, %get3A_213, %select_n3A_203 : vector<16xf32>
        %gt3A_219 = arith.cmpf ogt, %get3A_217, %select_n3A_205 : vector<16xf32>
        %select_n3A_220 = arith.select %gt3A_218, %get3A_213, %select_n3A_203 : vector<16xi1>, vector<16xf32>
        %select_n3A_221 = arith.select %gt3A_218, %broadcast_in_dim3A_209, %select_n3A_204 : vector<16xi1>, vector<16xi32>
        %select_n3A_222 = arith.select %gt3A_219, %get3A_217, %select_n3A_205 : vector<16xi1>, vector<16xf32>
        %select_n3A_223 = arith.select %gt3A_219, %broadcast_in_dim3A_209, %select_n3A_206 : vector<16xi1>, vector<16xi32>
        %scan3A_224 = arith.constant 7 : i32
        %scan3A_225 = arith.addi %scan3A_104, %scan3A_224 : i32
        %broadcast_in_dim3A_226 = vector.broadcast %scan3A_225 : i32 to vector<16xi32>
        %get3A_227 = arith.index_cast %scan3A_225 : i32 to index
        %get3A_228 = arith.index_cast %mul3A_66 : i32 to index
        %get3A_229 = tpu.vector_load %arg5[%get3A_227, %get3A_228] {strides = array<i32>} : memref<64x256xf32, #tpu.memory_space<vmem>>, vector<1x16xf32>,
        %get3A_230 = vector.shape_cast %get3A_229 : vector<1x16xf32> to vector<16xf32>
        %get3A_231 = arith.index_cast %scan3A_225 : i32 to index
        %get3A_232 = arith.index_cast %add3A_72 : i32 to index
        %get3A_233 = tpu.vector_load %arg5[%get3A_231, %get3A_232] {strides = array<i32>} : memref<64x256xf32, #tpu.memory_space<vmem>>, vector<1x16xf32>,
        %get3A_234 = vector.shape_cast %get3A_233 : vector<1x16xf32> to vector<16xf32>
        %gt3A_235 = arith.cmpf ogt, %get3A_230, %select_n3A_220 : vector<16xf32>
        %gt3A_236 = arith.cmpf ogt, %get3A_234, %select_n3A_222 : vector<16xf32>
        %select_n3A_237 = arith.select %gt3A_235, %get3A_230, %select_n3A_220 : vector<16xi1>, vector<16xf32>
        %select_n3A_238 = arith.select %gt3A_235, %broadcast_in_dim3A_226, %select_n3A_221 : vector<16xi1>, vector<16xi32>
        %select_n3A_239 = arith.select %gt3A_236, %get3A_234, %select_n3A_222 : vector<16xi1>, vector<16xf32>
        %select_n3A_240 = arith.select %gt3A_236, %broadcast_in_dim3A_226, %select_n3A_223 : vector<16xi1>, vector<16xi32>
        %scan3A_241 = arith.constant 8 : i32
        %scan3A_242 = arith.addi %scan3A_104, %scan3A_241 : i32
        %broadcast_in_dim3A_243 = vector.broadcast %scan3A_242 : i32 to vector<16xi32>
        %get3A_244 = arith.index_cast %scan3A_242 : i32 to index
        %get3A_245 = arith.index_cast %mul3A_66 : i32 to index
        %get3A_246 = tpu.vector_load %arg5[%get3A_244, %get3A_245] {strides = array<i32>} : memref<64x256xf32, #tpu.memory_space<vmem>>, vector<1x16xf32>,
        %get3A_247 = vector.shape_cast %get3A_246 : vector<1x16xf32> to vector<16xf32>
        %get3A_248 = arith.index_cast %scan3A_242 : i32 to index
        %get3A_249 = arith.index_cast %add3A_72 : i32 to index
        %get3A_250 = tpu.vector_load %arg5[%get3A_248, %get3A_249] {strides = array<i32>} : memref<64x256xf32, #tpu.memory_space<vmem>>, vector<1x16xf32>,
        %get3A_251 = vector.shape_cast %get3A_250 : vector<1x16xf32> to vector<16xf32>
        %gt3A_252 = arith.cmpf ogt, %get3A_247, %select_n3A_237 : vector<16xf32>
        %gt3A_253 = arith.cmpf ogt, %get3A_251, %select_n3A_239 : vector<16xf32>
        %select_n3A_254 = arith.select %gt3A_252, %get3A_247, %select_n3A_237 : vector<16xi1>, vector<16xf32>
        %select_n3A_255 = arith.select %gt3A_252, %broadcast_in_dim3A_243, %select_n3A_238 : vector<16xi1>, vector<16xi32>
        %select_n3A_256 = arith.select %gt3A_253, %get3A_251, %select_n3A_239 : vector<16xi1>, vector<16xf32>
        %select_n3A_257 = arith.select %gt3A_253, %broadcast_in_dim3A_243, %select_n3A_240 : vector<16xi1>, vector<16xi32>
        scf.yield %select_n3A_254, %select_n3A_255, %select_n3A_256, %select_n3A_257 : vector<16xf32>, vector<16xi32>, vector<16xf32>, vector<16xi32>
      }
      %scan3A_88 = arith.constant 63 : i32
      %swap3A = arith.index_cast %mul3A_66 : i32 to index
      %swap3A_89 = tpu.vector_load %arg6[%swap3A] {strides = array<i32>} : memref<256xf32, #tpu.memory_space<vmem>>, vector<16xf32>,
      %swap3A_90 = vector.shape_cast %swap3A_89 : vector<16xf32> to vector<16xf32>
      %swap3A_91 = vector.shape_cast %scan3A_87#0 : vector<16xf32> to vector<16xf32>
      tpu.vector_store %arg6[%swap3A], %swap3A_91 {strides = array<i32>} : memref<256xf32, #tpu.memory_space<vmem>>, vector<16xf32>,
      %swap3A_92 = arith.index_cast %mul3A_66 : i32 to index
      %swap3A_93 = tpu.vector_load %arg7[%swap3A_92] {strides = array<i32>} : memref<256xi32, #tpu.memory_space<vmem>>, vector<16xi32>,
      %swap3A_94 = vector.shape_cast %swap3A_93 : vector<16xi32> to vector<16xi32>
      %swap3A_95 = vector.shape_cast %scan3A_87#1 : vector<16xi32> to vector<16xi32>
      tpu.vector_store %arg7[%swap3A_92], %swap3A_95 {strides = array<i32>} : memref<256xi32, #tpu.memory_space<vmem>>, vector<16xi32>,
      %swap3A_96 = arith.index_cast %add3A_72 : i32 to index
      %swap3A_97 = tpu.vector_load %arg6[%swap3A_96] {strides = array<i32>} : memref<256xf32, #tpu.memory_space<vmem>>, vector<16xf32>,
      %swap3A_98 = vector.shape_cast %swap3A_97 : vector<16xf32> to vector<16xf32>
      %swap3A_99 = vector.shape_cast %scan3A_87#2 : vector<16xf32> to vector<16xf32>
      tpu.vector_store %arg6[%swap3A_96], %swap3A_99 {strides = array<i32>} : memref<256xf32, #tpu.memory_space<vmem>>, vector<16xf32>,
      %swap3A_100 = arith.index_cast %add3A_72 : i32 to index
      %swap3A_101 = tpu.vector_load %arg7[%swap3A_100] {strides = array<i32>} : memref<256xi32, #tpu.memory_space<vmem>>, vector<16xi32>,
      %swap3A_102 = vector.shape_cast %swap3A_101 : vector<16xi32> to vector<16xi32>
      %swap3A_103 = vector.shape_cast %scan3A_87#3 : vector<16xi32> to vector<16xi32>
      tpu.vector_store %arg7[%swap3A_100], %swap3A_103 {strides = array<i32>} : memref<256xi32, #tpu.memory_space<vmem>>, vector<16xi32>,
    }
    %scan3A_39 = arith.constant 8 : i32
    %dma_start3A_40 = arith.constant 0 : i32
    %dma_start3A_41 = tpu.memref_slice %arg3[%dma_start3A_40, %mul3A_2] : memref<1x8192xf32, #tpu.memory_space<hbm>> -> memref<1x256xf32, #tpu.memory_space<hbm>>
    %dma_start3A_42 = tpu.memref_squeeze %dma_start3A_41 : memref<1x256xf32, #tpu.memory_space<hbm>> -> memref<256xf32, #tpu.memory_space<hbm>>
    %dma_start3A_43 = tpu.memref_slice %arg3[%dma_start3A_40, %mul3A_2] : memref<1x8192xf32, #tpu.memory_space<hbm>> -> memref<1x256xf32, #tpu.memory_space<hbm>>
    %dma_start3A_44 = tpu.memref_squeeze %dma_start3A_43 : memref<1x256xf32, #tpu.memory_space<hbm>> -> memref<256xf32, #tpu.memory_space<hbm>>
    tpu.enqueue_dma source(%arg6 : memref<256xf32, #tpu.memory_space<vmem>>) target(%dma_start3A_44 : memref<256xf32, #tpu.memory_space<hbm>>) target_semaphore(%arg10 : memref<!tpu.dma_semaphore, #tpu.memory_space<semaphore_mem>>)
    %dma_start3A_45 = arith.constant 0 : i32
    %dma_start3A_46 = tpu.memref_slice %arg4[%dma_start3A_45, %mul3A_2] : memref<1x8192xi32, #tpu.memory_space<hbm>> -> memref<1x256xi32, #tpu.memory_space<hbm>>
    %dma_start3A_47 = tpu.memref_squeeze %dma_start3A_46 : memref<1x256xi32, #tpu.memory_space<hbm>> -> memref<256xi32, #tpu.memory_space<hbm>>
    %dma_start3A_48 = tpu.memref_slice %arg4[%dma_start3A_45, %mul3A_2] : memref<1x8192xi32, #tpu.memory_space<hbm>> -> memref<1x256xi32, #tpu.memory_space<hbm>>
    %dma_start3A_49 = tpu.memref_squeeze %dma_start3A_48 : memref<1x256xi32, #tpu.memory_space<hbm>> -> memref<256xi32, #tpu.memory_space<hbm>>
    tpu.enqueue_dma source(%arg7 : memref<256xi32, #tpu.memory_space<vmem>>) target(%dma_start3A_49 : memref<256xi32, #tpu.memory_space<hbm>>) target_semaphore(%arg10 : memref<!tpu.dma_semaphore, #tpu.memory_space<semaphore_mem>>)
    %dma_wait3A_50 = arith.constant 0 : i32
    %dma_wait3A_51 = tpu.memref_slice %arg3[%dma_wait3A_50, %mul3A_2] : memref<1x8192xf32, #tpu.memory_space<hbm>> -> memref<1x256xf32, #tpu.memory_space<hbm>>
    %dma_wait3A_52 = tpu.memref_squeeze %dma_wait3A_51 : memref<1x256xf32, #tpu.memory_space<hbm>> -> memref<256xf32, #tpu.memory_space<hbm>>
    %dma_wait3A_53 = tpu.memref_slice %arg3[%dma_wait3A_50, %mul3A_2] : memref<1x8192xf32, #tpu.memory_space<hbm>> -> memref<1x256xf32, #tpu.memory_space<hbm>>
    %dma_wait3A_54 = tpu.memref_squeeze %dma_wait3A_53 : memref<1x256xf32, #tpu.memory_space<hbm>> -> memref<256xf32, #tpu.memory_space<hbm>>
    tpu.wait_dma2 semaphore(%arg10 : memref<!tpu.dma_semaphore, #tpu.memory_space<semaphore_mem>>) src(%arg6 : memref<256xf32, #tpu.memory_space<vmem>>) dst(%dma_wait3A_54 : memref<256xf32, #tpu.memory_space<hbm>>)
    %dma_wait3A_55 = arith.constant 0 : i32
    %dma_wait3A_56 = tpu.memref_slice %arg4[%dma_wait3A_55, %mul3A_2] : memref<1x8192xi32, #tpu.memory_space<hbm>> -> memref<1x256xi32, #tpu.memory_space<hbm>>
    %dma_wait3A_57 = tpu.memref_squeeze %dma_wait3A_56 : memref<1x256xi32, #tpu.memory_space<hbm>> -> memref<256xi32, #tpu.memory_space<hbm>>
    %dma_wait3A_58 = tpu.memref_slice %arg4[%dma_wait3A_55, %mul3A_2] : memref<1x8192xi32, #tpu.memory_space<hbm>> -> memref<1x256xi32, #tpu.memory_space<hbm>>
    %dma_wait3A_59 = tpu.memref_squeeze %dma_wait3A_58 : memref<1x256xi32, #tpu.memory_space<hbm>> -> memref<256xi32, #tpu.memory_space<hbm>>
    tpu.wait_dma2 semaphore(%arg10 : memref<!tpu.dma_semaphore, #tpu.memory_space<semaphore_mem>>) src(%arg7 : memref<256xi32, #tpu.memory_space<vmem>>) dst(%dma_wait3A_59 : memref<256xi32, #tpu.memory_space<hbm>>)
    return
  }
}

</mosaic_0001>

<sc_bundles>
// kernel: kernel.3.cloned.1.call-start
scs
__scs_entry_jumppad:
0x0: {  	(pc) =	sbr.rel $0x88, $3  }
0x1: {  	(tag) =	ssettag $0x0;
	lr =	simm.s32 $0x1  }
0x2: {  	[smem:$0x3FA0] =	sst lr;
	_ =	strace $0xD0000000  }
0x3: {  	_ = 	snop  }
0x4: {  	_ = 	snop  }
0x5: {  	_ = 	snop  }
0x6: {  	_ = 	snop  }
0x7: {  	_ = 	snop  }
__scs_overlays_trampoline_lowered:
0x8: {  	[smem:$0x3FAF] =	sst s0  }
0x9: {  	[smem:$0x3FB0] =	sst s1  }
0xa: {  	[smem:$0x3FB1] =	sst s2  }
0xb: {  	[smem:$0x3FB2] =	sst s3  }
0xc: {  	[smem:$0x3FB3] =	sst s4  }
0xd: {  	[smem:$0x3FB4] =	sst s5  }
0xe: {  	[smem:$0x3FB5] =	sst s6  }
0xf: {  	[smem:$0x3FB6] =	sst s7  }
0x10: {  	[smem:$0x3FB7] =	sst s8  }
0x11: {  	[smem:$0x3FB8] =	sst s9;
	s0 =	simm.s32 @!p0 $0x0  }
0x12: {  	s1 =	sld [smem:$0x3F9E];
	s0 =	simm.s32 @p0 $0x1  }
0x13: {  	[smem:$0x3FB9] =	sst s0;
	s0 =	simm.s32 @!p1 $0x0  }
0x14: {  	s2 =	sld [smem:$0x3F9D];
	s0 =	simm.s32 @p1 $0x1  }
0x15: {  	[smem:$0x3FBA] =	sst s0;
	s0 =	simm.s32 @!p2 $0x0  }
0x16: {  	s3 =	sld [smem:$0x3FDB];
	s0 =	simm.s32 @p2 $0x1  }
0x17: {  	s4 =	simm.s32 $0x1BF5;
	[smem:$0x3FBC] =	sst s0  }
0x18: {  	s0 =	sld [smem:$0x3F9F];
	_ =	swait.ge [sflag:s4], $0x0  }
0x19: {  	s7 =	sld [smem:$0x3FA0]  }
0x1a: {  	s8 =	sadd.s32 $0xFFFFE003, lr  }
0x1b: {  	s9 =	sadd.s32 $0xFFFFFEF7, lr;
	s5 =	simm.s32 $0xFFFFFFFF;
	p2 =	slt.u32 s8, $0xFFFFF086  }
0x1c: {  	p1 =	slt.u32 s9, $0xF7A;
	s5 =	simm.s32 @!p2 $0x0  }
0x1d: {  	s5 =	simm.s32 @p1 $0x1;
	p0 =	seq.s32 s7, s2  }
0x1e: {  	s7 =	smul.u32 @!p0 $0xF7A, s2;
	p2 =	seq.s32 @!p0 s5, $0x0  }
0x1f: {  	s9 =	smul.u32 $0xF7A, s1;
	s8 =	simm.s32 @!p0 $0x1BF5;
	p2 =	por !p2, p0  }
0x20: {  	[sflag:s8] =	ssyncset.s32 @!p0 $0xFFFFF086;
	s6 =	sadd.s32 @!p0 s3, s7;
	s7 =	simm.s32 @!p0 $0x108  }
0x21: {  	s3 =	sadd.s32 s3, s9;
	s6 =	sadd.s32 @!p0 $0x88, s6;
	s7 =	simm.s32 @p2 $0x1082  }
0x22: {  	[simem:s7], [sflag:s8] =	dma.local @!p0 [hbm:s6], $0xF7A  }
0x23: {  	s9 =	sor.u32 $0xD0000000, s2;
	s6 =	simm.s32 $0x108;
	_ =	swait.ge @!p0 [sflag:s8], $0x0  }
0x24: {  	s3 =	sadd.s32 $0x88, s3;
	s6 =	simm.s32 @!p1 $0x1082;
	[sflag:s4] =	ssyncset.s32 $0xFFFFF086  }
0x25: {  	[simem:s6], [sflag:s4] =	dma.local [hbm:s3], $0xF7A  }
0x26: {  	[smem:$0x3FA0] =	sst s1;
	(tag) =	ssettag s2;
	_ =	strace s9  }
0x27: {  	s1 =	sld [smem:$0x3FB0]  }
0x28: {  	s2 =	sld [smem:$0x3FB1]  }
0x29: {  	s4 =	sld [smem:$0x3FB3]  }
0x2a: {  	p0 =	seq.s32 s5, $0x0;
	s5 =	sld [smem:$0x3FB4]  }
0x2b: {  	s6 =	sld [smem:$0x3FB5]  }
0x2c: {  	s7 =	sld [smem:$0x3FB6]  }
0x2d: {  	s3 =	simm.s32 $0x108;
	s8 =	sld [smem:$0x3FB7]  }
0x2e: {  	s3 =	simm.s32 @!p0 $0x1082;
	s9 =	sld [smem:$0x3FB8]  }
0x2f: {  	lr =	sadd.s32 s0, s3;
	s0 =	sld [smem:$0x3FAF]  }
0x30: {  	s3 =	sld [smem:$0x3FB2]  }
0x31: {  	[smem:$0x3FBB] =	sst s10  }
0x32: {  	s10 =	sld [smem:$0x3FB9];
	_ =	sdelay $0x3  }
0x33: {  	p0 =	seq.s32 s10, $0x1;
	s10 =	sld [smem:$0x3FBB];
	_ =	sdelay $0x3  }
0x34: {  	[smem:$0x3FBB] =	sst s10  }
0x35: {  	s10 =	sld [smem:$0x3FBA];
	_ =	sdelay $0x3  }
0x36: {  	p1 =	seq.s32 s10, $0x1;
	s10 =	sld [smem:$0x3FBB];
	_ =	sdelay $0x3  }
0x37: {  	[smem:$0x3FBB] =	sst s10  }
0x38: {  	s10 =	sld [smem:$0x3FBC]  }
0x39: {  	_ = 	snop;
	(pc) =	sbr.ind lr, $3  }
0x3a: {  	_ = 	snop  }
0x3b: {  	_ = 	snop  }
0x3c: {  	p2 =	seq.s32 s10, $0x1;
	s10 =	sld [smem:$0x3FBB]  }
0x3d: {  	_ =	shalt  }
0x3e: {  	_ =	shalt  }
0x3f: {  	_ =	shalt  }
0x40: {  	_ =	shalt  }
0x41: {  	_ =	shalt  }
0x42: {  	_ =	shalt  }
0x43: {  	_ =	shalt  }
0x44: {  	_ =	shalt  }
0x45: {  	_ =	shalt  }
0x46: {  	_ =	shalt  }
0x47: {  	_ =	shalt  }
0x48: {  	_ =	shalt  }
0x49: {  	_ =	shalt  }
0x4a: {  	_ =	shalt  }
0x4b: {  	_ =	shalt  }
0x4c: {  	_ =	shalt  }
0x4d: {  	_ =	shalt  }
0x4e: {  	_ =	shalt  }
0x4f: {  	_ =	shalt  }
0x50: {  	_ =	shalt  }
0x51: {  	_ =	shalt  }
0x52: {  	_ =	shalt  }
0x53: {  	_ =	shalt  }
0x54: {  	_ =	shalt  }
0x55: {  	_ =	shalt  }
0x56: {  	_ =	shalt  }
0x57: {  	_ =	shalt  }
0x58: {  	_ =	shalt  }
0x59: {  	_ =	shalt  }
0x5a: {  	_ =	shalt  }
0x5b: {  	_ =	shalt  }
0x5c: {  	_ =	shalt  }
0x5d: {  	_ =	shalt  }
0x5e: {  	_ =	shalt  }
0x5f: {  	_ =	shalt  }
0x60: {  	_ =	shalt  }
0x61: {  	_ =	shalt  }
0x62: {  	_ =	shalt  }
0x63: {  	_ =	shalt  }
0x64: {  	_ =	shalt  }
0x65: {  	_ =	shalt  }
0x66: {  	_ =	shalt  }
0x67: {  	_ =	shalt  }
0x68: {  	_ =	shalt  }
0x69: {  	_ =	shalt  }
0x6a: {  	_ =	shalt  }
0x6b: {  	_ =	shalt  }
0x6c: {  	_ =	shalt  }
0x6d: {  	_ =	shalt  }
0x6e: {  	_ =	shalt  }
0x6f: {  	_ =	shalt  }
0x70: {  	_ =	shalt  }
0x71: {  	_ =	shalt  }
0x72: {  	_ =	shalt  }
0x73: {  	_ =	shalt  }
0x74: {  	_ =	shalt  }
0x75: {  	_ =	shalt  }
0x76: {  	_ =	shalt  }
0x77: {  	_ =	shalt  }
0x78: {  	_ =	shalt  }
0x79: {  	_ =	shalt  }
0x7a: {  	_ =	shalt  }
0x7b: {  	_ =	shalt  }
0x7c: {  	_ =	shalt  }
0x7d: {  	_ =	shalt  }
0x7e: {  	_ =	shalt  }
0x7f: {  	_ =	shalt  }
0x80: {  	_ =	shalt  }
0x81: {  	_ =	shalt  }
0x82: {  	_ =	shalt  }
0x83: {  	_ =	shalt  }
0x84: {  	_ =	shalt  }
0x85: {  	_ =	shalt  }
0x86: {  	_ =	shalt  }
0x87: {  	_ =	shalt  }
.Lfunc_end0:
.L_simem_size_0:
called_computation_lowered:
.L_overlay_start_0:
0x88: {  	s2 =	sld [smem:$0x3FD9]  }
0x89: {  	s3 =	sld [smem:$0x3FFE];
	_ =	sdelay $0x1  }
0x8a: {  	s1 =	srdreg.scid  }
0x8b: {  	s0 =	sand.u32 $0x1, s1  }
0x8c: {  	s15 =	sshll.u32 s0, $0xA;
	s2 =	sadd.s32 s3, s2  }
0x8d: {  	s2 =	sadd.s32 s2, s15  }
0x8e: {  	[smem:$0x3FC7] =	sst s2  }
0x8f: {  	_ = 	snop  }
0x90: {  	s2 =	sld [smem:$0x3FD0];
	_ =	sdelay $0x2  }
0x91: {  	s4 =	simm.s32 $0xA;
	s5 =	simm.s32 $0x10;
	s16 =	sld [smem:$0x3FC9]  }
0x92: {  	[smem:s5], [sflag:s4] =	dma.local [hbm:s2], $0x1  }
0x93: {  	_ =	swait.eq [sflag:s4], $0x1  }
0x94: {  	[sflag:s4] =	ssyncset.done $0x0  }
0x95: {  	s17 =	sld [smem:$0x10];
	[sflag:s4] =	ssyncadd.s32 $0xFFFFFFFF  }
0x96: {  	s18 =	sld [smem:$0x11];
	(tm) =	ssettm $0x1  }
0x97: {  	s19 =	sld [smem:$0x3FFB];
	_ =	sdelay $0x3  }
0x98: {  	_ =	strace s19  }
0x99: {  	s5 =	sld [smem:$0x3FFC];
	_ =	sdelay $0x3  }
0x9a: {  	_ =	strace s5  }
0x9b: {  	s5 =	sld [smem:$0x3FFD];
	_ =	sdelay $0x3  }
0x9c: {  	_ =	strace s5  }
0x9d: {  	_ =	strace $0x8FFFFFFF  }
0x9e: {  	s20 =	sld [smem:$0x3FDB];
	_ =	sdelay $0x1  }
0x9f: {  	s6 =	simm.s32 $_scs_section_size  }
0xa0: {  	s7 =	simm.s32 $_size__tile_overlayer_lowered;
	s8 =	simm.s32 $_tile_overlayer_lowered  }
0xa1: {  	s23 =	simm.s32 $0x1BFF;
	s22 =	sshll.u32 s8, $0x1;
	s5 =	sadd.s32 s6, s20  }
0xa2: {  	s9 =	simm.s32 $0x0;
	s21 =	sshll.u32 s7, $0x1;
	s7 =	sadd.s32 s22, s5  }
0xa3: {  	[timem:s9], [sflag:s23] =	dma.local [hbm:s7], s21  }
0xa4: {  	_ =	swait.ge [sflag:s23], s21  }
0xa5: {  	s6 =	ssub.s32 $0x0, s21;
	[sflag:s23] =	ssyncset.done $0x0  }
0xa6: {  	[sflag:s23] =	ssyncadd.s32 s6;
	_ =	sdelay $0x1  }
0xa7: {  	s24 =	simm.s32 $0x1B8B  }
0xa8: {  	_ =	swait.ge [sflag:s24], $0x1  }
0xa9: {  	[sflag:s24] =	ssyncset.done $0x0  }
0xaa: {  	s25 =	simm.s32 $0x1B8E;
	[sflag:s24] =	ssyncadd.s32 $0xFFFFFFFF  }
0xab: {  	s26 =	simm.s32 $execute0_lowered;
	[smem:$0x3FD2] =	sst s25  }
0xac: {  	s6 =	sshll.u32 s26, $0x1;
	_ =	strace $0x80000046;
	[dreg:$0x1] =	wrdreg $0xFFFFFFFF  }
0xad: {  	s28 =	simm.s32 $_size_execute0_lowered;
	s5 =	sadd.s32 s5, s6;
	[dreg:$0x0] =	wrdreg $0x0  }
0xae: {  	s6 =	sshll.u32 s28, $0x1;
	[dreg:$0x2] =	wrdreg s5  }
0xaf: {  	[dreg:$0x3] =	wrdreg s6  }
0xb0: {  	[dreg:$0x4] =	wrdreg $0xC0  }
0xb1: {  	_ =	task [dreg:s9], $0x5FFFF  }
0xb2: {  	[dreg:$0x1] =	wrdreg $0xFFFFFFFF  }
0xb3: {  	[dreg:$0x0] =	wrdreg $0x60  }
0xb4: {  	[dreg:$0x2] =	wrdreg s16  }
0xb5: {  	[dreg:$0x3] =	wrdreg s17  }
0xb6: {  	[dreg:$0x4] =	wrdreg s18  }
0xb7: {  	[dreg:$0x5] =	wrdreg $0x9  }
0xb8: {  	_ =	task.clear_ibuf [dreg:s9], $0x6FFFF;
	_ =	strace $0x90000046  }
0xb9: {  	s29 =	simm.s32 $0x9;
	_ =	strace $0x80000048  }
0xba: {  	_ =	swait.ge [sflag:s29], $0x1  }
0xbb: {  	[sflag:s29] =	ssyncadd.s32 $0xFFFFFFFF  }
0xbc: {  	_ =	strace $0x90000048  }
0xbd: {  	_ =	sfence  }
0xbe: {  	s30 =	sld [smem:$0x0];
	_ =	sdelay $0x2  }
0xbf: {  	s31 =	sshll.u32 s1, $0xD;
	s1 =	sshrl.u32 s1, $0x2  }
0xc0: {  	s3 =	sand.u32 $0x4000, s31;
	s1 =	sadd.s32 s1, s30  }
0xc1: {  	s0 =	sor.u32 s3, s0;
	s1 =	sshll.u32 s1, $0x11  }
0xc2: {  	s0 =	sor.u32 s1, s0  }
0xc3: {  	s0 =	sadd.s32 $0x8F2B, s0  }
0xc4: {  	[sflag:s0] =	ssyncadd.remote.s32 $0x1  }
0xc5: {  	_ =	sfence.sel $0xFFFF  }
0xc6: {  	[dreg:$0x0] =	wrdreg $0xFFFFFFFF;
	(pc) =	sbr.abs _section_cstart, $3  }
0xc7: {  	[dreg:$0x1] =	wrdreg $0xFFFFFFFF  }
0xc8: {  	_ =	task.clear_ibuf [dreg:s9], $0x2FFFF;
	_ =	strace $0x9FFFFFFF  }
0xc9: {  	(tm) =	ssettm $0x7FFFFFFF  }
tec
execute0_lowered:
.L_overlay_start_1:
0x0: {  	(tag) =	ssettag $0x1  }
0x1: {  	s3 =	srdreg.scid  }
0x2: {  	s0 =	rddreg [dreg:$0x0];
	s5 =	stileid.u32;
	s3 =	sand.u32 $0x1, s3  }
0x3: {  	s1 =	rddreg [dreg:$0x1];
	s5 =	sshll.u32 s5, $0x9;
	s6 =	sshll.u32 s3, $0x8  }
0x4: {  	s4 =	rddreg [dreg:$0x2];
	s2 =	simm.s32 $0x0;
	s5 =	sor.u32 s6, s5  }
0x5: {  	[smem:$0x7FF] =	sst s2;
	s7 =	ssub.s32 $0x2, s3;
	s3 =	sadd.s32 s0, s5  }
0x6: {  	_ =	strace $0x80000047;
	s13 =	sshrl.u32 s5, $0x3;
	s15 =	sadd.s32 $0x80, s3  }
0x7: {  	s12 =	sshrl.u32 s7, $0x1;
	s1 =	sadd.s32 s1, s13;
	[dreg:$0x4] =	wrdreg s15  }
0x8: {  	s14 =	ssub.s32 s7, s12;
	s0 =	sadd.s32 s4, s13;
	[dreg:$0x5] =	wrdreg s1  }
0x9: {  	s16 =	smax.u32 s14, $0x1;
	[dreg:$0x6] =	wrdreg s0  }
0xa: {  	s17 =	sadd.s32 $0x2000, s3;
	[dreg:$0x7] =	wrdreg s16  }
0xb: {  	s18 =	sadd.s32 $0x4000, s3;
	[dreg:$0x8] =	wrdreg s17  }
0xc: {  	s19 =	sadd.s32 $0x6000, s3;
	[dreg:$0x9] =	wrdreg s18  }
0xd: {  	s20 =	sadd.s32 $0x8000, s3;
	[dreg:$0xa] =	wrdreg s19  }
0xe: {  	s21 =	sadd.s32 $0xA000, s3;
	[dreg:$0xb] =	wrdreg s20  }
0xf: {  	s22 =	sadd.s32 $0xC000, s3;
	[dreg:$0xc] =	wrdreg s21  }
0x10: {  	s23 =	sadd.s32 $0xE000, s3;
	[dreg:$0xd] =	wrdreg s22  }
0x11: {  	s24 =	sadd.s32 $0x2080, s3;
	[dreg:$0xe] =	wrdreg s23  }
0x12: {  	s25 =	sadd.s32 $0x4080, s3;
	[dreg:$0xf] =	wrdreg s24  }
0x13: {  	s26 =	sadd.s32 $0x6080, s3;
	[dreg:$0x10] =	wrdreg s25  }
0x14: {  	s28 =	sadd.s32 $0x8080, s3;
	[dreg:$0x11] =	wrdreg s26  }
0x15: {  	s29 =	sadd.s32 $0xA080, s3;
	[dreg:$0x12] =	wrdreg s28  }
0x16: {  	s30 =	simm.s32 $0x3;
	s31 =	simm.s32 $0x0;
	[dreg:$0x13] =	wrdreg s29  }
0x17: {  	s20 =	sadd.s32 $0xC080, s3;
	s21 =	sadd.s32 $0xE080, s3;
	s26 =	simm.s32 $0x1  }
.LBB2_1:
0x18: {  	[tilespmem:s2], [sflag:$0x1] =	stream.linear.gather [hbm4b:s3+s2], $0x400, $0x38;
	[tilespmem:$0x4200] =	vst v63  }
0x19: {  	s0 =	rddreg [dreg:$0x8];
	s1 =	simm.s32 $0x800  }
0x1a: {  	[tilespmem:s1], [sflag:$0x1] =	stream.linear.gather [hbm4b:s0+s2], $0x400, $0x38;
	[tilespmem:$0x4200] =	vst v63  }
0x1b: {  	s24 =	rddreg [dreg:$0x9];
	s25 =	simm.s32 $0x1000  }
0x1c: {  	[tilespmem:s25], [sflag:$0x1] =	stream.linear.gather [hbm4b:s24+s2], $0x400, $0x38;
	[tilespmem:$0x4200] =	vst v63  }
0x1d: {  	s28 =	rddreg [dreg:$0xa];
	s29 =	simm.s32 $0x1800  }
0x1e: {  	[tilespmem:s29], [sflag:$0x1] =	stream.linear.gather [hbm4b:s28+s2], $0x400, $0x38;
	[tilespmem:$0x4200] =	vst v63  }
0x1f: {  	s4 =	rddreg [dreg:$0xb];
	s5 =	simm.s32 $0x2000  }
0x20: {  	[tilespmem:s5], [sflag:$0x1] =	stream.linear.gather [hbm4b:s4+s2], $0x400, $0x38;
	[tilespmem:$0x4200] =	vst v63  }
0x21: {  	s6 =	rddreg [dreg:$0xc];
	s7 =	simm.s32 $0x2800  }
0x22: {  	[tilespmem:s7], [sflag:$0x1] =	stream.linear.gather [hbm4b:s6+s2], $0x400, $0x38;
	[tilespmem:$0x4200] =	vst v63  }
0x23: {  	s8 =	rddreg [dreg:$0xd];
	s9 =	simm.s32 $0x3000  }
0x24: {  	[tilespmem:s9], [sflag:$0x1] =	stream.linear.gather [hbm4b:s8+s2], $0x400, $0x38;
	[tilespmem:$0x4200] =	vst v63  }
0x25: {  	s10 =	rddreg [dreg:$0xe];
	s11 =	simm.s32 $0x3800  }
0x26: {  	[tilespmem:s11], [sflag:$0x1] =	stream.linear.gather [hbm4b:s10+s2], $0x400, $0x38;
	[tilespmem:$0x4200] =	vst v63  }
0x27: {  	s12 =	rddreg [dreg:$0x4];
	s13 =	simm.s32 $0x400  }
0x28: {  	[tilespmem:s13], [sflag:$0x2] =	stream.linear.gather [hbm4b:s12+s2], $0x400, $0x38;
	[tilespmem:$0x4200] =	vst v63  }
0x29: {  	s14 =	rddreg [dreg:$0xf];
	s15 =	simm.s32 $0xC00  }
0x2a: {  	[tilespmem:s15], [sflag:$0x2] =	stream.linear.gather [hbm4b:s14+s2], $0x400, $0x38;
	[tilespmem:$0x4200] =	vst v63  }
0x2b: {  	s16 =	rddreg [dreg:$0x10];
	s17 =	simm.s32 $0x1400  }
0x2c: {  	[tilespmem:s17], [sflag:$0x2] =	stream.linear.gather [hbm4b:s16+s2], $0x400, $0x38;
	[tilespmem:$0x4200] =	vst v63  }
0x2d: {  	s18 =	rddreg [dreg:$0x11];
	s19 =	simm.s32 $0x1C00  }
0x2e: {  	[tilespmem:s19], [sflag:$0x2] =	stream.linear.gather [hbm4b:s18+s2], $0x400, $0x38;
	[tilespmem:$0x4200] =	vst v63  }
0x2f: {  	s22 =	rddreg [dreg:$0x12];
	s23 =	simm.s32 $0x2400  }
0x30: {  	[tilespmem:s23], [sflag:$0x2] =	stream.linear.gather [hbm4b:s22+s2], $0x400, $0x38;
	[tilespmem:$0x4200] =	vst v63  }
0x31: {  	s24 =	rddreg [dreg:$0x13];
	s25 =	simm.s32 $0x2C00  }
0x32: {  	[tilespmem:s25], [sflag:$0x2] =	stream.linear.gather [hbm4b:s24+s2], $0x400, $0x38;
	[tilespmem:$0x4200] =	vst v63  }
0x33: {  	s28 =	simm.s32 $0x3400  }
0x34: {  	[tilespmem:s28], [sflag:$0x2] =	stream.linear.gather [hbm4b:s20+s2], $0x400, $0x38;
	[tilespmem:$0x4200] =	vst v63  }
0x35: {  	s29 =	simm.s32 $0x3C00  }
0x36: {  	[tilespmem:s29], [sflag:$0x2] =	stream.linear.gather [hbm4b:s21+s2], $0x400, $0x38;
	[tilespmem:$0x4200] =	vst v63  }
0x37: {  	_ =	swait.ge [sflag:s26], $0x2000  }
0x38: {  	s0 =	simm.s32 $0x0;
	[sflag:s26] =	ssyncset.done $0x0  }
0x39: {  	s1 =	simm.s32 $0x0;
	s22 =	simm.s32 $0x0;
	[sflag:s26] =	ssyncadd.s32 $0xFFFFE000  }
.LBB2_2:
0x3a: {  	s4 =	sshll.u32 s1, $0x2;
	s5 =	sand.u32 $0x3, s0;
	p0 =	sne.s32 s22, $0x4  }
0x3b: {  	s23 =	sshll.u32 s22, $0x5;
	s6 =	sshll.u32 s22, $0x8;
	s8 =	simm.s32 $0x1  }
0x3c: {  	s11 =	simm.s32 $0x900;
	s4 =	sand.u32 $0xFFFFF000, s4;
	s5 =	sshll.u32 s5, $0x7  }
0x3d: {  	s28 =	simm.s32 $0x800;
	s10 =	simm.s32 $0x100;
	s4 =	sor.u32 s5, s4  }
0x3e: {  	s17 =	simm.s32 $0x300;
	s9 =	sshrl.u32 s4, $0x2;
	s4 =	simm.s32 @!p0 $0x2  }
0x3f: {  	s19 =	simm.s32 $0x200;
	s12 =	simm.s32 $0x100;
	_ =	swait.ge @!p0 [sflag:s4], $0x2000  }
0x40: {  	s16 =	sand.u32 $0x60, s23;
	s25 =	sand.u32 $0x400, s6;
	[sflag:s4] =	ssyncset.done @!p0 $0x0  }
0x41: {  	s24 =	sor.u32 $0x10, s16;
	s6 =	sor.u32 s16, s25;
	v1 =	vmov s16;
	[sflag:s4] =	ssyncadd.s32 @!p0 $0xFFFFE000  }
0x42: {  	s15 =	simm.s32 $0x180;
	s18 =	sand.u32 $0x3FFFF800, s10;
	s7 =	sor.u32 s24, s25;
	v0 =	vmov s24;
	v2 =	vld [tilespmem:s6+$0x0]  }
0x43: {  	s13 =	sand.u32 $0x7800, s19;
	s14 =	sand.u32 $0x380, s12;
	v3 =	vld [tilespmem:s7+$0x0];
	s6 =	sadd.s32 s18, s9  }
0x44: {  	s19 =	simm.s32 $0x200;
	s5 =	sand.u32 $0x7800, s17;
	s7 =	sor.u32 s13, s25;
	v4 =	vld [tilespmem:s6+$0x80]  }
0x45: {  	s17 =	sand.u32 $0x380, s15;
	s5 =	sor.u32 s5, s25;
	v5 =	vld [tilespmem:s6+$0x90];
	s16 =	sadd.s32 s14, s7  }
0x46: {  	s11 =	sand.u32 $0x3FFFF800, s11;
	s5 =	sadd.s32 s17, s5;
	s18 =	simm.s32 $0x400;
	v6 =	vld.idx.msk [tilespmem:v1+s16+$0x0 ss:$0x1], $0xffff  }
0x47: {  	s29 =	sadd.s32 $0x80, s9;
	s13 =	simm.s32 $0x500;
	s12 =	sand.u32 $0x7800, s18;
	v7 =	vld.idx.msk [tilespmem:v0+s16+$0x0 ss:$0x1], $0xffff  }
0x48: {  	v8 =	vld.idx.msk [tilespmem:v1+s5+$0x0 ss:$0x1], $0xffff;
	s7 =	sand.u32 $0x380, s19;
	s10 =	sand.u32 $0x7800, s13;
	s6 =	sor.u32 s12, s25  }
0x49: {  	s14 =	simm.s32 $0x280;
	v9 =	vld.idx.msk [tilespmem:v0+s5+$0x0 ss:$0x1], $0xffff;
	s18 =	simm.s32 $0x600;
	s15 =	sadd.s32 s7, s6  }
0x4a: {  	v10 =	vimm.s32 $0x0;
	s19 =	simm.s32 $0x300;
	s16 =	sand.u32 $0x380, s14;
	s17 =	sor.u32 s10, s25;
	v11 =	vld.idx.msk [tilespmem:v1+s15+$0x0 ss:$0x1], $0xffff;
	vm0 =	vgt.f32 v4, v2;
	vm1 =	vgt.f32 v5, v3  }
0x4b: {  	s13 =	simm.s32 $0x2;
	s10 =	sand.u32 $0x7800, s18;
	s6 =	sadd.s32 s16, s17;
	v12 =	vld.idx.msk [tilespmem:v0+s15+$0x0 ss:$0x1], $0xffff;
	v2 =	vsel vm0, v4, v2;
	v3 =	vsel vm1, v5, v3;
	v4 =	vsel vm1, s8, v10  }
0x4c: {  	s12 =	simm.s32 $0x700;
	s7 =	sand.u32 $0x380, s19;
	s5 =	sor.u32 s10, s25;
	v13 =	vld.idx.msk [tilespmem:v0+s6+$0x0 ss:$0x1], $0xffff;
	v10 =	vsel vm0, s8, v10;
	vm0 =	vgt.f32 v6, v2;
	vm1 =	vgt.f32 v7, v3  }
0x4d: {  	s4 =	simm.s32 $0x380;
	s10 =	sand.u32 $0x7800, s12;
	s5 =	sadd.s32 s7, s5;
	v5 =	vld.idx.msk [tilespmem:v1+s6+$0x0 ss:$0x1], $0xffff;
	v2 =	vsel vm0, v6, v2;
	v3 =	vsel vm1, v7, v3;
	v4 =	vsel vm1, s13, v4  }
0x4e: {  	s4 =	sand.u32 $0x380, s4;
	s14 =	sor.u32 s10, s25;
	s15 =	simm.s32 $0x3;
	v7 =	vld.idx.msk [tilespmem:v1+s5+$0x0 ss:$0x1], $0xffff;
	v6 =	vsel vm0, s13, v10;
	vm0 =	vgt.f32 v8, v2;
	vm1 =	vgt.f32 v9, v3  }
0x4f: {  	s16 =	simm.s32 $0x4;
	s17 =	sand.u32 $0x3FFFF800, s28;
	s10 =	sadd.s32 s4, s14;
	v10 =	vld.idx.msk [tilespmem:v0+s5+$0x0 ss:$0x1], $0xffff;
	v8 =	vsel vm0, v8, v2;
	v9 =	vsel vm1, v9, v3;
	v4 =	vsel vm1, s15, v4  }
0x50: {  	s12 =	simm.s32 $0x6;
	s19 =	simm.s32 $0xB00;
	s7 =	simm.s32 $0xA00;
	v2 =	vld.idx.msk [tilespmem:v1+s10+$0x0 ss:$0x1], $0xffff;
	v6 =	vsel vm0, s15, v6;
	vm0 =	vgt.f32 v11, v8;
	vm1 =	vgt.f32 v12, v9  }
0x51: {  	s4 =	simm.s32 $0x1200;
	s14 =	simm.s32 $0x7;
	s13 =	sadd.s32 s17, s9;
	v3 =	vld.idx.msk [tilespmem:v0+s10+$0x0 ss:$0x1], $0xffff;
	v8 =	vsel vm0, v11, v8;
	v9 =	vsel vm1, v12, v9;
	v11 =	vsel vm1, s16, v4  }
0x52: {  	s18 =	sand.u32 $0x3FFFF800, s7;
	s6 =	simm.s32 $0xA;
	v63 =	vsel vm0, s16, v6;
	s16 =	simm.s32 $0x5;
	v4 =	vld [tilespmem:s13+$0x0];
	vm0 =	vgt.f32 v5, v8;
	vm1 =	vgt.f32 v13, v9  }
0x53: {  	s8 =	simm.s32 $0x9;
	s5 =	simm.s32 $0x800;
	s17 =	sadd.s32 s11, s9;
	v6 =	vld [tilespmem:s13+$0x10];
	v8 =	vsel vm0, v5, v8;
	v13 =	vsel vm1, v13, v9;
	v14 =	vsel vm1, s16, v11  }
0x54: {  	s11 =	simm.s32 $0x580;
	s9 =	simm.s32 $0x13;
	s10 =	simm.s32 $0x8;
	v9 =	vsel vm0, s16, v63;
	v5 =	vld [tilespmem:s17+$0x80];
	vm0 =	vgt.f32 v7, v8;
	vm1 =	vgt.f32 v10, v13  }
0x55: {  	s15 =	simm.s32 $0xC00;
	s13 =	sand.u32 $0x7800, s19;
	s16 =	sadd.s32 s18, s29;
	v11 =	vsel vm0, v7, v8;
	v10 =	vsel vm1, v10, v13;
	v8 =	vsel vm1, s12, v14;
	v7 =	vld [tilespmem:s17+$0x90]  }
.LBB2_3:
0x56: {  	p0 =	slt.u32 s9, $0x37  }
0x57: {  	s17 =	sand.u32 $0x380, s11;
	s18 =	sor.u32 s13, s25;
	s13 =	smov.u32 s4  }
0x58: {  	v12 =	vld [tilespmem:s16+$0x80];
	v9 =	vsel vm0, s12, v9;
	vm0 =	vgt.f32 v2, v11;
	vm1 =	vgt.f32 v3, v10;
	s11 =	smov.u32 s29;
	s12 =	smov.u32 s6;
	s15 =	sand.u32 $0x7800, s15  }
0x59: {  	s29 =	sadd.s32 $0x80, s29;
	v13 =	vld [tilespmem:s16+$0x90];
	s6 =	sadd.s32 s17, s18;
	s16 =	sadd.s32 $0xFFFFFE00, s5;
	v2 =	vsel vm0, v2, v11;
	v3 =	vsel vm1, v3, v10;
	v8 =	vsel vm1, s14, v8  }
0x5a: {  	s15 =	sor.u32 s15, s25;
	s17 =	sadd.s32 $0xFFFFFB00, s4;
	v9 =	vsel vm0, s14, v9;
	v10 =	vld.idx.msk [tilespmem:v1+s6+$0x0 ss:$0x1], $0xffff;
	s16 =	sand.u32 $0x380, s16;
	vm0 =	vgt.f32 v4, v2;
	vm1 =	vgt.f32 v6, v3  }
0x5b: {  	s14 =	sand.u32 $0x7800, s17;
	v11 =	vld.idx.msk [tilespmem:v0+s6+$0x0 ss:$0x1], $0xffff;
	s6 =	sadd.s32 s16, s15;
	s15 =	sadd.s32 $0xFFFFFE80, s5;
	v2 =	vsel vm0, v4, v2;
	v3 =	vsel vm1, v6, v3;
	v4 =	vsel vm1, s10, v8  }
0x5c: {  	s14 =	sor.u32 s14, s25;
	s16 =	sadd.s32 $0xFFFFFC00, s4;
	v8 =	vsel vm0, s10, v9;
	v6 =	vld.idx.msk [tilespmem:v1+s6+$0x0 ss:$0x1], $0xffff;
	s15 =	sand.u32 $0x380, s15;
	vm0 =	vgt.f32 v5, v2;
	vm1 =	vgt.f32 v7, v3  }
0x5d: {  	s10 =	sand.u32 $0x7800, s16;
	v9 =	vld.idx.msk [tilespmem:v0+s6+$0x0 ss:$0x1], $0xffff;
	s6 =	sadd.s32 s15, s14;
	s14 =	sadd.s32 $0xFFFFFF00, s5;
	v2 =	vsel vm0, v5, v2;
	v3 =	vsel vm1, v7, v3;
	v4 =	vsel vm1, s8, v4  }
0x5e: {  	s10 =	sor.u32 s10, s25;
	s15 =	sadd.s32 $0xFFFFFD00, s4;
	v7 =	vsel vm0, s8, v8;
	v5 =	vld.idx.msk [tilespmem:v1+s6+$0x0 ss:$0x1], $0xffff;
	s14 =	sand.u32 $0x380, s14  }
0x5f: {  	vm0 =	vgt.f32 v12, v2;
	vm1 =	vgt.f32 v13, v3;
	s8 =	sand.u32 $0x7800, s15;
	v8 =	vld.idx.msk [tilespmem:v0+s6+$0x0 ss:$0x1], $0xffff;
	s6 =	sadd.s32 s14, s10;
	s10 =	sadd.s32 $0xFFFFFF80, s5  }
0x60: {  	v2 =	vsel vm0, v12, v2;
	v3 =	vsel vm1, v13, v3;
	v4 =	vsel vm1, s12, v4;
	s8 =	sor.u32 s8, s25;
	s14 =	sadd.s32 $0xFFFFFE00, s4;
	v12 =	vld.idx.msk [tilespmem:v1+s6+$0x0 ss:$0x1], $0xffff;
	s10 =	sand.u32 $0x380, s10  }
0x61: {  	s15 =	sadd.s32 $0x1, s12;
	v7 =	vsel vm0, s12, v7;
	vm0 =	vgt.f32 v10, v2;
	vm1 =	vgt.f32 v11, v3;
	v13 =	vld.idx.msk [tilespmem:v0+s6+$0x0 ss:$0x1], $0xffff;
	s8 =	sadd.s32 s10, s8;
	s6 =	sand.u32 $0x7800, s14  }
0x62: {  	v2 =	vsel vm0, v10, v2;
	v3 =	vsel vm1, v11, v3;
	v4 =	vsel vm1, s15, v4;
	s10 =	sand.u32 $0x380, s5;
	v10 =	vld.idx.msk [tilespmem:v1+s8+$0x0 ss:$0x1], $0xffff;
	s14 =	sor.u32 s6, s25;
	s6 =	smov.u32 s9  }
0x63: {  	s4 =	sadd.s32 $0x900, s4;
	v7 =	vsel vm0, s15, v7;
	s15 =	sadd.s32 $0x2, s12;
	vm0 =	vgt.f32 v6, v2;
	vm1 =	vgt.f32 v9, v3;
	v14 =	vld.idx.msk [tilespmem:v0+s8+$0x0 ss:$0x1], $0xffff;
	s8 =	sadd.s32 s10, s14  }
0x64: {  	s28 =	sadd.s32 $0x900, s28;
	s7 =	sadd.s32 $0x900, s7;
	s5 =	sadd.s32 $0x480, s5;
	v6 =	vsel vm0, v6, v2;
	v9 =	vsel vm1, v9, v3;
	v4 =	vsel vm1, s15, v4;
	v2 =	vld.idx.msk [tilespmem:v1+s8+$0x0 ss:$0x1], $0xffff  }
0x65: {  	v7 =	vsel vm0, s15, v7;
	s14 =	sadd.s32 $0x3, s12;
	s10 =	sadd.s32 $0x7, s12;
	vm0 =	vgt.f32 v5, v6;
	vm1 =	vgt.f32 v8, v9;
	v3 =	vld.idx.msk [tilespmem:v0+s8+$0x0 ss:$0x1], $0xffff;
	s8 =	sand.u32 $0x3FFFF800, s28  }
.Ltmp0:
0x66: {  	v5 =	vsel vm0, v5, v6;
	v6 =	vsel vm1, v8, v9;
	v8 =	vsel vm1, s14, v4;
	s16 =	sadd.s32 s8, s11;
	s8 =	sadd.s32 $0x8, s12;
	(pc) =	sbr.rel @p0 .LBB2_3-.Ltmp0, $4  }
0x67: {  	s13 =	sand.u32 $0x3FFFF800, s13;
	s17 =	sadd.s32 $0x4, s12;
	v7 =	vsel vm0, s14, v7;
	s14 =	sadd.s32 $0x6, s12;
	vm0 =	vgt.f32 v12, v5;
	vm1 =	vgt.f32 v13, v6;
	v4 =	vld [tilespmem:s16+$0x0]  }
0x68: {  	s18 =	sadd.s32 s13, s11;
	s15 =	sadd.s32 $0xFFFFFA00, s4;
	s12 =	sadd.s32 $0x5, s12;
	v11 =	vsel vm0, v12, v5;
	v12 =	vsel vm1, v13, v6;
	v8 =	vsel vm1, s17, v8;
	v6 =	vld [tilespmem:s16+$0x10]  }
0x69: {  	s13 =	sand.u32 $0x3FFFF800, s7;
	s19 =	sadd.s32 $0xFFFFF900, s4;
	s11 =	sadd.s32 $0xFFFFFD80, s5;
	v9 =	vsel vm0, s17, v7;
	vm0 =	vgt.f32 v10, v11;
	vm1 =	vgt.f32 v14, v12;
	v5 =	vld [tilespmem:s18+$0x80]  }
0x6a: {  	s9 =	sadd.s32 $0x9, s9;
	s16 =	sadd.s32 s13, s29;
	s13 =	sand.u32 $0x7800, s19;
	v11 =	vsel vm0, v10, v11;
	v10 =	vsel vm1, v14, v12;
	v8 =	vsel vm1, s12, v8;
	v7 =	vld [tilespmem:s18+$0x90]  }
0x6b: {  	_ = 	snop  }
0x6c: {  	vm1 =	vgt.f32 v2, v11  }
0x6d: {  	v12 =	vld [tilespmem:s16+$0x80];
	s7 =	sand.u32 $0x380, s11;
	s9 =	sor.u32 s13, s25;
	v2 =	vsel vm1, v2, v11  }
0x6e: {  	vm2 =	vgt.f32 v3, v10;
	v41 =	vld [tilespmem:s16+$0x90];
	s16 =	sand.u32 $0x7800, s15;
	s17 =	sadd.s32 $0xFFFFFE00, s5;
	s7 =	sadd.s32 s7, s9;
	vm3 =	vgt.f32 v4, v2  }
0x6f: {  	v9 =	vsel vm0, s12, v9;
	s18 =	sadd.s32 $0xFFFFFB00, s4;
	v3 =	vsel vm2, v3, v10;
	s11 =	sand.u32 $0x380, s17;
	s9 =	sor.u32 s16, s25;
	v42 =	vld.idx.msk [tilespmem:v1+s7+$0x0 ss:$0x1], $0xffff;
	v2 =	vsel vm3, v4, v2  }
0x70: {  	s15 =	sadd.s32 $0xFFFFFE80, s5;
	v43 =	vsel vm2, s14, v8;
	s13 =	sand.u32 $0x7800, s18;
	vm5 =	vgt.f32 v6, v3;
	v44 =	vld.idx.msk [tilespmem:v0+s7+$0x0 ss:$0x1], $0xffff;
	s19 =	sadd.s32 s11, s9;
	vm6 =	vgt.f32 v5, v2  }
0x71: {  	v9 =	vsel vm1, s14, v9;
	s16 =	sadd.s32 $0xFFFFFC00, s4;
	s11 =	sand.u32 $0x380, s15;
	s9 =	sor.u32 s13, s25;
	v3 =	vsel vm5, v6, v3;
	v45 =	vld.idx.msk [tilespmem:v1+s19+$0x0 ss:$0x1], $0xffff;
	v2 =	vsel vm6, v5, v2  }
0x72: {  	s18 =	sand.u32 $0x7800, s16;
	v4 =	vsel vm5, s10, v43;
	v46 =	vld.idx.msk [tilespmem:v0+s19+$0x0 ss:$0x1], $0xffff;
	s17 =	sadd.s32 s11, s9;
	s19 =	sadd.s32 $0xFFFFFF00, s5;
	vm7 =	vgt.f32 v7, v3;
	vm8 =	vgt.f32 v12, v2  }
0x73: {  	s13 =	sadd.s32 $0xFFFFFD00, s4;
	v9 =	vsel vm3, s10, v9;
	s9 =	sor.u32 s18, s25;
	v47 =	vld.idx.msk [tilespmem:v1+s17+$0x0 ss:$0x1], $0xffff;
	s12 =	sand.u32 $0x380, s19;
	v3 =	vsel vm7, v7, v3;
	v2 =	vsel vm8, v12, v2  }
0x74: {  	s16 =	sadd.s32 $0xFFFFFF80, s5;
	s15 =	sand.u32 $0x7800, s13;
	v48 =	vld.idx.msk [tilespmem:v0+s17+$0x0 ss:$0x1], $0xffff;
	v4 =	vsel vm7, s8, v4;
	s14 =	sadd.s32 s12, s9;
	vm9 =	vgt.f32 v41, v3;
	vm10 =	vgt.f32 v42, v2  }
0x75: {  	s18 =	sadd.s32 $0xFFFFFE00, s4;
	s17 =	sand.u32 $0x380, s16;
	v9 =	vsel vm6, s8, v9;
	s9 =	sor.u32 s15, s25;
	v49 =	vld.idx.msk [tilespmem:v1+s14+$0x0 ss:$0x1], $0xffff;
	v3 =	vsel vm9, v41, v3;
	v2 =	vsel vm10, v42, v2  }
0x76: {  	s10 =	sadd.s32 $0x1, s6;
	v50 =	vld.idx.msk [tilespmem:v0+s14+$0x0 ss:$0x1], $0xffff;
	s19 =	sadd.s32 s17, s9;
	s9 =	sand.u32 $0x7800, s18;
	v4 =	vsel vm9, s6, v4;
	vm11 =	vgt.f32 v44, v3;
	vm12 =	vgt.f32 v45, v2  }
0x77: {  	s11 =	sand.u32 $0x380, s5;
	s12 =	sadd.s32 $0x900, s28;
	v9 =	vsel vm8, s6, v9;
	v51 =	vld.idx.msk [tilespmem:v1+s19+$0x0 ss:$0x1], $0xffff;
	s8 =	sor.u32 s9, s25;
	v3 =	vsel vm11, v44, v3;
	v2 =	vsel vm12, v45, v2  }
0x78: {  	s7 =	sand.u32 $0x3FFFF800, s12;
	v52 =	vld.idx.msk [tilespmem:v0+s19+$0x0 ss:$0x1], $0xffff;
	s5 =	sadd.s32 s11, s8;
	v4 =	vsel vm11, s10, v4;
	vm13 =	vgt.f32 v46, v3;
	vm14 =	vgt.f32 v47, v2  }
0x79: {  	s13 =	sadd.s32 $0x2, s6;
	s14 =	sadd.s32 s7, s29;
	v9 =	vsel vm10, s10, v9;
	v53 =	vld.idx.msk [tilespmem:v1+s5+$0x0 ss:$0x1], $0xffff;
	v3 =	vsel vm13, v46, v3;
	v2 =	vsel vm14, v47, v2  }
0x7a: {  	s16 =	sand.u32 $0x3FFFF800, s4;
	v56 =	vld [tilespmem:s14+$0x0];
	v4 =	vsel vm13, s13, v4;
	vm15 =	vgt.f32 v48, v3;
	vm6 =	vgt.f32 v49, v2  }
0x7b: {  	s15 =	sadd.s32 $0x3, s6;
	s4 =	sadd.s32 s16, s29;
	v54 =	vld.idx.msk [tilespmem:v0+s5+$0x0 ss:$0x1], $0xffff;
	v55 =	vsel vm12, s13, v9;
	v3 =	vsel vm15, v48, v3;
	v2 =	vsel vm6, v49, v2  }
0x7c: {  	v58 =	vld [tilespmem:s4+$0x80];
	v4 =	vsel vm15, s15, v4;
	vm7 =	vgt.f32 v50, v3;
	vm8 =	vgt.f32 v51, v2  }
0x7d: {  	s17 =	sadd.s32 $0x4, s6;
	v57 =	vld [tilespmem:s14+$0x10];
	v5 =	vsel vm14, s15, v55;
	v3 =	vsel vm7, v50, v3;
	v2 =	vsel vm8, v51, v2  }
0x7e: {  	v4 =	vsel vm7, s17, v4;
	vm9 =	vgt.f32 v52, v3;
	vm10 =	vgt.f32 v53, v2  }
0x7f: {  	s18 =	sadd.s32 $0x5, s6;
	v59 =	vld [tilespmem:s4+$0x90];
	v5 =	vsel vm6, s17, v5;
	v3 =	vsel vm9, v52, v3;
	v1 =	vsel vm10, v53, v2  }
0x80: {  	v60 =	vsel vm9, s18, v4;
	vm11 =	vgt.f32 v54, v3;
	vm12 =	vgt.f32 v56, v1  }
0x81: {  	s22 =	sadd.s32 $0x1, s22;
	s19 =	sadd.s32 $0x6, s6;
	v61 =	vsel vm8, s18, v5;
	v0 =	vsel vm11, v54, v3;
	v1 =	vsel vm12, v56, v1  }
0x82: {  	p0 =	sne.s32 s22, $0x8;
	s25 =	sadd.s32 $0x7, s6;
	v62 =	vsel vm10, s19, v61;
	vm13 =	vgt.f32 v57, v0;
	vm14 =	vgt.f32 v58, v1  }
.Ltmp1:
0x83: {  	s28 =	sadd.s32 $0x8, s6;
	v3 =	vsel vm12, s25, v62;
	v0 =	vsel vm13, v57, v0;
	v1 =	vsel vm14, v58, v1;
	(pc) =	sbr.rel @p0 .LBB2_2-.Ltmp1, $4  }
0x84: {  	s29 =	sand.u32 $0x80, s23;
	v2 =	vsel vm11, s19, v60;
	vm15 =	vgt.f32 v59, v0;
	v3 =	vsel vm14, s28, v3;
	[tilespmem:s23+$0x4000] =	vst v1  }
0x85: {  	s4 =	sor.u32 s29, s24;
	v63 =	vsel vm13, s25, v2;
	v0 =	vsel vm15, v59, v0;
	[tilespmem:s23+$0x4100] =	vst v3  }
0x86: {  	v1 =	vsel vm15, s28, v63;
	[tilespmem:s4+$0x4000] =	vst v0  }
0x87: {  	s1 =	sadd.s32 $0x100, s1;
	s0 =	sadd.s32 $0x1, s0;
	[tilespmem:s4+$0x4100] =	vst v1  }
0x88: {  	s0 =	rddreg [dreg:$0x5];
	s1 =	simm.s32 $0x4000  }
0x89: {  	[hbm4b:s0+s2] =	stream.linear.scatter [tilespmem:s1], [sflag:$0x3], $0x100, $0x38;
	[tilespmem:$0x4200] =	vst v63  }
0x8a: {  	s25 =	rddreg [dreg:$0x6];
	s28 =	simm.s32 $0x4100  }
0x8b: {  	[hbm4b:s25+s2] =	stream.linear.scatter [tilespmem:s28], [sflag:$0x3], $0x100, $0x38;
	[tilespmem:$0x4200] =	vst v63  }
0x8c: {  	_ =	swait.ge [sflag:s30], $0x100  }
0x8d: {  	[sflag:s30] =	ssyncset.done $0x0  }
0x8e: {  	[sflag:s30] =	ssyncadd.s32 $0xFFFFFF00  }
0x8f: {  	_ =	swait.ge [sflag:s30], $0x100  }
0x90: {  	s31 =	sadd.s32 $0x1, s31;
	s29 =	rddreg [dreg:$0x7]  }
0x91: {  	p0 =	sne.s32 s31, s29  }
.Ltmp2:
0x92: {  	_ = 	snop;
	(pc) =	sbr.rel @p0 .LBB2_1-.Ltmp2, $3  }
0x93: {  	_ =	sdelay $0x1  }
0x94: {  	[sflag:s30] =	ssyncset.done $0x0  }
0x95: {  	[sflag:s30] =	ssyncadd.s32 $0xFFFFFF00  }
0x96: {  	_ =	sfence.sel $0x180000  }
0x97: {  	[bflag:$0x0] =	sbarrier.arrive $0xFFFF  }
0x98: {  	_ =	strace $0x90000047  }
0x99: {  	s0 =	stileid.u32;
	[bflag:$0x2] =	sbarrier.arrive $0xFFFF  }
0x9a: {  	p0 =	sne.s32 s0, $0x0;
	s0 =	rddreg [dreg:$0x3]  }
0x9b: {  	s0 =	sadd.s32 @!p0 $0x100000, s0  }
0x9c: {  	[sflag:s0] =	ssyncadd.tile.s32 @!p0 $0x1;
	_ =	shalt  }
.Lfunc_end2:
_tile_overlayer_lowered:
.L_overlay_start_2:
0x9d: {  	(tag) =	ssettag $0x2  }
0x9e: {  	s0 =	rddreg [dreg:$0x0];
	s2 =	stileid.u32  }
0x9f: {  	s1 =	rddreg [dreg:$0x1];
	p0 =	sne.s32 s2, $0x0  }
0xa0: {  	s3 =	rddreg [dreg:$0x2];
	[bflag:$0x3] =	sbarrier.arrive $0xFFFF;
	s2 =	simm.s32 @!p0 $0x1C04  }
0xa1: {  	[timem:s3], [sflag:s2] =	dma.local @!p0 [hbm:s0], s1  }
0xa2: {  	s0 =	simm.s32 @!p0 $0x4  }
0xa3: {  	_ =	swait.ge @!p0 [sflag:s0], s1  }
0xa4: {  	s1 =	ssub.s32 @!p0 $0x0, s1;
	[sflag:s0] =	ssyncset.done @!p0 $0x0  }
0xa5: {  	[sflag:s0] =	ssyncadd.s32 @!p0 s1  }
0xa6: {  	[bflag:$0x3] =	sbarrier.arrive $0xFFFF  }
0xa7: {  	_ =	shalt  }

</sc_bundles>
